<compile_context>
chip_gen: v7x
topology: tpu7x:2x2x1
jax: 0.10.2.dev20260603
libtpu: 0.0.44.dev20260713+nightly
codegen_flags: <defaults>
</compile_context>

<pallas_src>
import functools

import jax
import jax.numpy as jnp
from jax import lax
from jax.experimental import pallas as pl
from jax.experimental.pallas import tpu as pltpu
from jax.experimental.pallas import tpu_sc as plsc

B = 2
N_COARSE = 25000
N_FINE = 100000
D = 128
DW = D // 2

NC = 2
NS = 16
NW = NC * NS

CHUNK = 128
NF_PAD = 102400
WPW = NF_PAD // NS
CPW = WPW // CHUNK
NBUF = 2
NGROUP = CPW // NBUF

TILE_A = 2000
TILE_C = 4000

HIMASK = -65536


def _matmul_a_body(x_ref, w2_ref, o_ref):
    xb = x_ref[...].astype(jnp.bfloat16)
    wb = w2_ref[...].astype(jnp.bfloat16)
    acc = jnp.dot(xb, wb, preferred_element_type=jnp.float32)
    lo = lax.bitcast_convert_type(acc[:, :DW], jnp.int32)
    hi = lax.bitcast_convert_type(acc[:, DW:], jnp.int32)
    o_ref[...] = lax.shift_right_logical(lo, 16) | (hi & HIMASK)


def _coarse_matmul(x_flat, w2):
    n = x_flat.shape[0]
    return pl.pallas_call(
        _matmul_a_body,
        grid=(n // TILE_A,),
        in_specs=[
            pl.BlockSpec((TILE_A, D), lambda i: (i, 0)),
            pl.BlockSpec((D, D), lambda i: (0, 0)),
        ],
        out_specs=pl.BlockSpec((TILE_A, DW), lambda i: (i, 0)),
        out_shape=jax.ShapeDtypeStruct((n, DW), jnp.int32),
    )(x_flat, w2)


def _gather_body(src_hbm, idx_hbm, out_hbm, table_s, idx_v, *rest):
    bufs = rest[:NBUF]
    gsems = rest[NBUF:2 * NBUF]
    wsems = rest[2 * NBUF:3 * NBUF]
    cid = lax.axis_index("c")
    sid = lax.axis_index("s")

    @pl.when(sid == 0)
    def _stage():
        pltpu.sync_copy(src_hbm.at[cid], table_s)

    plsc.subcore_barrier()

    base = sid * WPW
    pltpu.sync_copy(idx_hbm.at[pl.ds(base, WPW)], idx_v)

    def group(g, carry):
        hs = []
        for bb in range(NBUF):
            off = pl.multiple_of((g * NBUF + bb) * CHUNK, CHUNK)
            hs.append(pltpu.async_copy(
                table_s.at[idx_v.at[pl.ds(off, CHUNK)]], bufs[bb], gsems[bb]))
        ws = []
        for bb in range(NBUF):
            off = pl.multiple_of((g * NBUF + bb) * CHUNK, CHUNK)
            hs[bb].wait()
            ws.append(pltpu.async_copy(
                bufs[bb], out_hbm.at[cid, pl.ds(base + off, CHUNK)], wsems[bb]))
        for bb in range(NBUF):
            ws[bb].wait()
        return carry

    lax.fori_loop(0, NGROUP, group, 0)


def _sc_gather(src, idx_pad):
    mesh = plsc.VectorSubcoreMesh(core_axis_name="c", subcore_axis_name="s")
    f = functools.partial(
        pl.kernel,
        mesh=mesh,
        compiler_params=pltpu.CompilerParams(use_tc_tiling_on_sc=False),
        out_type=jax.ShapeDtypeStruct((B, NF_PAD, DW), jnp.int32),
        scratch_types=(
            [pltpu.VMEM_SHARED((N_COARSE, DW), jnp.int32)]
            + [pltpu.VMEM((WPW,), jnp.int32)]
            + [pltpu.VMEM((CHUNK, DW), jnp.int32) for _ in range(NBUF)]
            + [pltpu.SemaphoreType.DMA for _ in range(2 * NBUF)]
        ),
    )(_gather_body)
    return f(src, idx_pad)


def _unpack16(gp):
    lo = lax.bitcast_convert_type(lax.shift_left(gp, 16), jnp.float32)
    hi = lax.bitcast_convert_type(gp & HIMASK, jnp.float32)
    return jnp.concatenate([lo, hi], axis=1)


def _final_body(xs_ref, g_ref, d_ref, w1_ref, b_ref, o_ref):
    w = 1.0 / (d_ref[...] + 1e-2)
    xb = xs_ref[0].astype(jnp.bfloat16)
    wb = w1_ref[...].astype(jnp.bfloat16)
    acc = jnp.dot(xb, wb, preferred_element_type=jnp.float32)
    gp = g_ref[0]
    first = _unpack16(gp[:, :DW])
    second = _unpack16(gp[:, DW:])
    gf = jnp.concatenate([first, second], axis=0)
    o_ref[0] = acc + w * gf + b_ref[...]


def _final(x_scale, g3, dist2, w1, b2):
    return pl.pallas_call(
        _final_body,
        grid=(B, N_FINE // TILE_C),
        in_specs=[
            pl.BlockSpec((1, TILE_C, D), lambda bb, i: (bb, i, 0)),
            pl.BlockSpec((1, TILE_C // 2, D), lambda bb, i: (bb, i, 0)),
            pl.BlockSpec((TILE_C, 1), lambda bb, i: (i, 0)),
            pl.BlockSpec((D, D), lambda bb, i: (0, 0)),
            pl.BlockSpec((1, D), lambda bb, i: (0, 0)),
        ],
        out_specs=pl.BlockSpec((1, TILE_C, D), lambda bb, i: (bb, i, 0)),
        out_shape=jax.ShapeDtypeStruct((B, N_FINE, D), jnp.float32),
    )(x_scale, g3, dist2, w1, b2)


def kernel(x, x_scale, fine2coarse_index, distances, W, b):
    w1 = W[:D]
    w2 = W[D:]
    x_flat = x.reshape(B * N_COARSE, D)
    idx = fine2coarse_index.astype(jnp.int32)
    r = jnp.arange(N_FINE, dtype=jnp.int32)
    rr = r % TILE_C
    perm = (r // TILE_C) * TILE_C + (rr % 2) * (TILE_C // 2) + rr // 2
    idxg = jnp.take(idx, perm)
    idx_pad = jnp.concatenate(
        [idxg, jnp.zeros((NF_PAD - N_FINE,), jnp.int32)]
    )
    dist2 = distances.reshape(N_FINE, 1)
    b2 = b.reshape(1, D)

    xw2p = _coarse_matmul(x_flat, w2)
    src3 = xw2p.reshape(B, N_COARSE, DW)
    g = _sc_gather(src3, idx_pad)
    g3 = g.reshape(B, NF_PAD // 2, D)
    return _final(x_scale, g3, dist2, w1, b2)

# --- scband reference (transcript-rebuilt; emitter-appended) ---
"""Pipeline reference for scband-interpolate-layer-57174604644519 (READ-ONLY COPY).

The authoritative reference and input builder live on the scoring server;
editing this copy changes nothing except your own understanding.
"""

import jax, jax.numpy as jnp
import numpy as np

B = 2
N_COARSE = 25000
N_FINE = 100000
D = 128


def setup_inputs(seed: int = 0) -> dict:
    key = jax.random.key(seed)
    k1, k2, k3, k4, k5 = jax.random.split(key, 5)
    x = jax.random.normal(k1, (B, N_COARSE, D), dtype=jnp.float32)
    x_scale = jax.random.normal(k2, (B, N_FINE, D), dtype=jnp.float32)
    fine2coarse_index = jax.random.randint(k3, (N_FINE,), 0, N_COARSE)
    distances = jax.random.uniform(k4, (1, N_FINE, 1), dtype=jnp.float32)
    # learned params of the up_node_model (inverse-distance gather + skip concat + Linear)
    W = jax.random.normal(k5, (2 * D, D), dtype=jnp.float32) * 0.05
    b = jnp.zeros((D,), dtype=jnp.float32)
    return {
        "x": x,
        "x_scale": x_scale,
        "fine2coarse_index": fine2coarse_index,
        "distances": distances,
        "W": W,
        "b": b,
    }


def reference(x, x_scale, fine2coarse_index, distances, W, b):
    # up_node_model: gather coarse features up to fine nodes,
    # weight by inverse distance, concat with fine skip features, linear.
    gathered = jnp.take(x, fine2coarse_index, axis=1)          # [B, N_FINE, D]
    weights = 1.0 / (distances + 1e-2)                          # [1, N_FINE, 1]
    weighted = gathered * weights                               # [B, N_FINE, D]
    h = jnp.concatenate([x_scale, weighted], axis=-1)           # [B, N_FINE, 2D]
    interp_node_attrs = jnp.dot(h, W) + b                       # [B, N_FINE, D]
    return interp_node_attrs

if __name__ == "__main__":
    import jax
    _d = setup_inputs()
    print(jax.jit(kernel)(*tuple(_d.values())))

</pallas_src>

<mosaic_0001>
#map = affine_map<(d0, d1) -> (0, 0, 0)>
#map1 = affine_map<(d0, d1) -> (0)>
module attributes {stable_mosaic.version = 14 : i64} {
  func.func @_gather_body(%arg0: i32, %arg1: i32, %arg2: memref<2x25000x64xi32, #tpu.memory_space<hbm>>, %arg3: memref<102400xi32, #tpu.memory_space<hbm>>, %arg4: memref<2x102400x64xi32, #tpu.memory_space<hbm>>, %arg5: memref<25000x64xi32, #tpu.memory_space<vmem_shared>>, %arg6: memref<6400xi32, #tpu.memory_space<vmem>>, %arg7: memref<128x64xi32, #tpu.memory_space<vmem>>, %arg8: memref<128x64xi32, #tpu.memory_space<vmem>>, %arg9: memref<!tpu.dma_semaphore, #tpu.memory_space<semaphore_mem>>, %arg10: memref<!tpu.dma_semaphore, #tpu.memory_space<semaphore_mem>>, %arg11: memref<!tpu.dma_semaphore, #tpu.memory_space<semaphore_mem>>, %arg12: memref<!tpu.dma_semaphore, #tpu.memory_space<semaphore_mem>>) attributes {dimension_semantics = [#tpu.dimension_semantics<core_parallel>, #tpu.dimension_semantics<subcore_parallel>], iteration_bounds = array<i64: 2, 16>, scalar_prefetch = 0 : i64, scratch_operands = 8 : i64, tpu.core_type = #tpu.core_type<sc_vector_subcore>, window_params = [{transform_indices = #map}, {transform_indices = #map1}, {transform_indices = #map}]} {
    %eq3A = arith.constant 0 : i32
    %eq3A_0 = arith.cmpi eq, %arg1, %eq3A : i32
    %convert_element_type3A = arith.extui %eq3A_0 : i1 to i32
    %cond3A = arith.constant 0 : i32
    %cond3A_1 = arith.cmpi ne, %convert_element_type3A, %cond3A : i32
    scf.if %cond3A_1 {
      "tpu.region"() ({
        %run_scoped3A = tpu.sem_alloc : memref<!tpu.dma_semaphore, #tpu.memory_space<semaphore_mem>>
        %dma_start3A = arith.constant 0 : i32
        %dma_start3A_8 = arith.constant 0 : i32
        %dma_start3A_9 = tpu.memref_slice %arg2[%arg0, %dma_start3A, %dma_start3A_8] : memref<2x25000x64xi32, #tpu.memory_space<hbm>> -> memref<1x25000x64xi32, #tpu.memory_space<hbm>>
        %dma_start3A_10 = tpu.memref_squeeze %dma_start3A_9 : memref<1x25000x64xi32, #tpu.memory_space<hbm>> -> memref<25000x64xi32, #tpu.memory_space<hbm>>
        tpu.enqueue_dma source(%dma_start3A_10 : memref<25000x64xi32, #tpu.memory_space<hbm>>) target(%arg5 : memref<25000x64xi32, #tpu.memory_space<vmem_shared>>) target_semaphore(%run_scoped3A : memref<!tpu.dma_semaphore, #tpu.memory_space<semaphore_mem>>)
        %dma_wait3A = arith.constant 0 : i32
        %dma_wait3A_11 = arith.constant 0 : i32
        %dma_wait3A_12 = tpu.memref_slice %arg2[%arg0, %dma_wait3A, %dma_wait3A_11] : memref<2x25000x64xi32, #tpu.memory_space<hbm>> -> memref<1x25000x64xi32, #tpu.memory_space<hbm>>
        %dma_wait3A_13 = tpu.memref_squeeze %dma_wait3A_12 : memref<1x25000x64xi32, #tpu.memory_space<hbm>> -> memref<25000x64xi32, #tpu.memory_space<hbm>>
        tpu.wait_dma2 semaphore(%run_scoped3A : memref<!tpu.dma_semaphore, #tpu.memory_space<semaphore_mem>>) src(%dma_wait3A_13 : memref<25000x64xi32, #tpu.memory_space<hbm>>) dst(%arg5 : memref<25000x64xi32, #tpu.memory_space<vmem_shared>>)
        tpu.yield
      }) : () -> ()
    } else {
    }
    %barrier3A = arith.constant 0 : index
    tpu.barrier barrier_id(%barrier3A)
    %mul3A = arith.constant 6400 : i32
    %mul3A_2 = arith.muli %arg1, %mul3A : i32
    "tpu.region"() ({
      %run_scoped3A = tpu.sem_alloc : memref<!tpu.dma_semaphore, #tpu.memory_space<semaphore_mem>>
      %dma_start3A = tpu.memref_slice %arg3[%mul3A_2] : memref<102400xi32, #tpu.memory_space<hbm>> -> memref<6400xi32, #tpu.memory_space<hbm>>
      %dma_start3A_8 = tpu.memref_slice %arg3[%mul3A_2] : memref<102400xi32, #tpu.memory_space<hbm>> -> memref<6400xi32, #tpu.memory_space<hbm>>
      tpu.enqueue_dma source(%dma_start3A_8 : memref<6400xi32, #tpu.memory_space<hbm>>) target(%arg6 : memref<6400xi32, #tpu.memory_space<vmem>>) target_semaphore(%run_scoped3A : memref<!tpu.dma_semaphore, #tpu.memory_space<semaphore_mem>>)
      %dma_wait3A = tpu.memref_slice %arg3[%mul3A_2] : memref<102400xi32, #tpu.memory_space<hbm>> -> memref<6400xi32, #tpu.memory_space<hbm>>
      %dma_wait3A_9 = tpu.memref_slice %arg3[%mul3A_2] : memref<102400xi32, #tpu.memory_space<hbm>> -> memref<6400xi32, #tpu.memory_space<hbm>>
      tpu.wait_dma2 semaphore(%run_scoped3A : memref<!tpu.dma_semaphore, #tpu.memory_space<semaphore_mem>>) src(%dma_wait3A_9 : memref<6400xi32, #tpu.memory_space<hbm>>) dst(%arg6 : memref<6400xi32, #tpu.memory_space<vmem>>)
      tpu.yield
    }) : () -> ()
    %scan3A = arith.constant 0 : i32
    %scan3A_3 = arith.constant 0 : i32
    %scan3A_4 = arith.constant 25 : i32
    %scan3A_5 = arith.addi %scan3A_3, %scan3A_4 : i32
    %scan3A_6 = arith.constant 1 : i32
    scf.for %scan3A_8 = %scan3A_3 to %scan3A_5 step %scan3A_6  : i32 {
      %mul3A_9 = arith.constant 2 : i32
      %mul3A_10 = arith.muli %scan3A_8, %mul3A_9 : i32
      %add3A = arith.constant 0 : i32
      %add3A_11 = arith.addi %mul3A_10, %add3A : i32
      %mul3A_12 = arith.constant 128 : i32
      %mul3A_13 = arith.muli %add3A_11, %mul3A_12 : i32
      %multiple_of3A = tpu.assume_multiple %mul3A_13, 128 : i32
      %dma_start3A = tpu.memref_slice %arg6[%multiple_of3A] : memref<6400xi32, #tpu.memory_space<vmem>> -> memref<128xi32, #tpu.memory_space<vmem>>
      %dma_start3A_14 = arith.constant 0 : i32
      %dma_start3A_15 = arith.constant 0 : i32
      %dma_start3A_16 = tpu.memref_slice %arg5[%dma_start3A_14, %dma_start3A_15] : memref<25000x64xi32, #tpu.memory_space<vmem_shared>> -> memref<25000x64xi32, #tpu.memory_space<vmem_shared>>
      tpu.enqueue_indirect_dma source(%dma_start3A_16 : memref<25000x64xi32, #tpu.memory_space<vmem_shared>>) target(%arg7 : memref<128x64xi32, #tpu.memory_space<vmem>>) offsets(%dma_start3A : memref<128xi32, #tpu.memory_space<vmem>>) semaphore(%arg9 : memref<!tpu.dma_semaphore, #tpu.memory_space<semaphore_mem>>)
      %mul3A_17 = arith.constant 2 : i32
      %mul3A_18 = arith.muli %scan3A_8, %mul3A_17 : i32
      %add3A_19 = arith.constant 1 : i32
      %add3A_20 = arith.addi %mul3A_18, %add3A_19 : i32
      %mul3A_21 = arith.constant 128 : i32
      %mul3A_22 = arith.muli %add3A_20, %mul3A_21 : i32
      %multiple_of3A_23 = tpu.assume_multiple %mul3A_22, 128 : i32
      %dma_start3A_24 = tpu.memref_slice %arg6[%multiple_of3A_23] : memref<6400xi32, #tpu.memory_space<vmem>> -> memref<128xi32, #tpu.memory_space<vmem>>
      %dma_start3A_25 = arith.constant 0 : i32
      %dma_start3A_26 = arith.constant 0 : i32
      %dma_start3A_27 = tpu.memref_slice %arg5[%dma_start3A_25, %dma_start3A_26] : memref<25000x64xi32, #tpu.memory_space<vmem_shared>> -> memref<25000x64xi32, #tpu.memory_space<vmem_shared>>
      tpu.enqueue_indirect_dma source(%dma_start3A_27 : memref<25000x64xi32, #tpu.memory_space<vmem_shared>>) target(%arg8 : memref<128x64xi32, #tpu.memory_space<vmem>>) offsets(%dma_start3A_24 : memref<128xi32, #tpu.memory_space<vmem>>) semaphore(%arg10 : memref<!tpu.dma_semaphore, #tpu.memory_space<semaphore_mem>>)
      %mul3A_28 = arith.constant 2 : i32
      %mul3A_29 = arith.muli %scan3A_8, %mul3A_28 : i32
      %add3A_30 = arith.constant 0 : i32
      %add3A_31 = arith.addi %mul3A_29, %add3A_30 : i32
      %mul3A_32 = arith.constant 128 : i32
      %mul3A_33 = arith.muli %add3A_31, %mul3A_32 : i32
      %multiple_of3A_34 = tpu.assume_multiple %mul3A_33, 128 : i32
      %dma_wait3A = tpu.memref_slice %arg6[%multiple_of3A] : memref<6400xi32, #tpu.memory_space<vmem>> -> memref<128xi32, #tpu.memory_space<vmem>>
      %dma_wait3A_35 = arith.constant 0 : i32
      %dma_wait3A_36 = arith.constant 0 : i32
      %dma_wait3A_37 = tpu.memref_slice %arg5[%dma_wait3A_35, %dma_wait3A_36] : memref<25000x64xi32, #tpu.memory_space<vmem_shared>> -> memref<25000x64xi32, #tpu.memory_space<vmem_shared>>
      tpu.wait_indirect_dma semaphore(%arg9 : memref<!tpu.dma_semaphore, #tpu.memory_space<semaphore_mem>>) src(%dma_wait3A_37 : memref<25000x64xi32, #tpu.memory_space<vmem_shared>>) dst(%arg7 : memref<128x64xi32, #tpu.memory_space<vmem>>)
      %add3A_38 = arith.addi %mul3A_2, %multiple_of3A_34 : i32
      %dma_start3A_39 = arith.constant 0 : i32
      %dma_start3A_40 = tpu.memref_slice %arg4[%arg0, %add3A_38, %dma_start3A_39] : memref<2x102400x64xi32, #tpu.memory_space<hbm>> -> memref<1x128x64xi32, #tpu.memory_space<hbm>>
      %dma_start3A_41 = tpu.memref_squeeze %dma_start3A_40 : memref<1x128x64xi32, #tpu.memory_space<hbm>> -> memref<128x64xi32, #tpu.memory_space<hbm>>
      %dma_start3A_42 = arith.constant 0 : i32
      %dma_start3A_43 = tpu.memref_slice %arg4[%arg0, %add3A_38, %dma_start3A_42] : memref<2x102400x64xi32, #tpu.memory_space<hbm>> -> memref<1x128x64xi32, #tpu.memory_space<hbm>>
      %dma_start3A_44 = tpu.memref_squeeze %dma_start3A_43 : memref<1x128x64xi32, #tpu.memory_space<hbm>> -> memref<128x64xi32, #tpu.memory_space<hbm>>
      tpu.enqueue_dma source(%arg7 : memref<128x64xi32, #tpu.memory_space<vmem>>) target(%dma_start3A_44 : memref<128x64xi32, #tpu.memory_space<hbm>>) target_semaphore(%arg11 : memref<!tpu.dma_semaphore, #tpu.memory_space<semaphore_mem>>)
      %mul3A_45 = arith.constant 2 : i32
      %mul3A_46 = arith.muli %scan3A_8, %mul3A_45 : i32
      %add3A_47 = arith.constant 1 : i32
      %add3A_48 = arith.addi %mul3A_46, %add3A_47 : i32
      %mul3A_49 = arith.constant 128 : i32
      %mul3A_50 = arith.muli %add3A_48, %mul3A_49 : i32
      %multiple_of3A_51 = tpu.assume_multiple %mul3A_50, 128 : i32
      %dma_wait3A_52 = tpu.memref_slice %arg6[%multiple_of3A_23] : memref<6400xi32, #tpu.memory_space<vmem>> -> memref<128xi32, #tpu.memory_space<vmem>>
      %dma_wait3A_53 = arith.constant 0 : i32
      %dma_wait3A_54 = arith.constant 0 : i32
      %dma_wait3A_55 = tpu.memref_slice %arg5[%dma_wait3A_53, %dma_wait3A_54] : memref<25000x64xi32, #tpu.memory_space<vmem_shared>> -> memref<25000x64xi32, #tpu.memory_space<vmem_shared>>
      tpu.wait_indirect_dma semaphore(%arg10 : memref<!tpu.dma_semaphore, #tpu.memory_space<semaphore_mem>>) src(%dma_wait3A_55 : memref<25000x64xi32, #tpu.memory_space<vmem_shared>>) dst(%arg8 : memref<128x64xi32, #tpu.memory_space<vmem>>)
      %add3A_56 = arith.addi %mul3A_2, %multiple_of3A_51 : i32
      %dma_start3A_57 = arith.constant 0 : i32
      %dma_start3A_58 = tpu.memref_slice %arg4[%arg0, %add3A_56, %dma_start3A_57] : memref<2x102400x64xi32, #tpu.memory_space<hbm>> -> memref<1x128x64xi32, #tpu.memory_space<hbm>>
      %dma_start3A_59 = tpu.memref_squeeze %dma_start3A_58 : memref<1x128x64xi32, #tpu.memory_space<hbm>> -> memref<128x64xi32, #tpu.memory_space<hbm>>
      %dma_start3A_60 = arith.constant 0 : i32
      %dma_start3A_61 = tpu.memref_slice %arg4[%arg0, %add3A_56, %dma_start3A_60] : memref<2x102400x64xi32, #tpu.memory_space<hbm>> -> memref<1x128x64xi32, #tpu.memory_space<hbm>>
      %dma_start3A_62 = tpu.memref_squeeze %dma_start3A_61 : memref<1x128x64xi32, #tpu.memory_space<hbm>> -> memref<128x64xi32, #tpu.memory_space<hbm>>
      tpu.enqueue_dma source(%arg8 : memref<128x64xi32, #tpu.memory_space<vmem>>) target(%dma_start3A_62 : memref<128x64xi32, #tpu.memory_space<hbm>>) target_semaphore(%arg12 : memref<!tpu.dma_semaphore, #tpu.memory_space<semaphore_mem>>)
      %dma_wait3A_63 = arith.constant 0 : i32
      %dma_wait3A_64 = tpu.memref_slice %arg4[%arg0, %add3A_38, %dma_wait3A_63] : memref<2x102400x64xi32, #tpu.memory_space<hbm>> -> memref<1x128x64xi32, #tpu.memory_space<hbm>>
      %dma_wait3A_65 = tpu.memref_squeeze %dma_wait3A_64 : memref<1x128x64xi32, #tpu.memory_space<hbm>> -> memref<128x64xi32, #tpu.memory_space<hbm>>
      %dma_wait3A_66 = arith.constant 0 : i32
      %dma_wait3A_67 = tpu.memref_slice %arg4[%arg0, %add3A_38, %dma_wait3A_66] : memref<2x102400x64xi32, #tpu.memory_space<hbm>> -> memref<1x128x64xi32, #tpu.memory_space<hbm>>
      %dma_wait3A_68 = tpu.memref_squeeze %dma_wait3A_67 : memref<1x128x64xi32, #tpu.memory_space<hbm>> -> memref<128x64xi32, #tpu.memory_space<hbm>>
      tpu.wait_dma2 semaphore(%arg11 : memref<!tpu.dma_semaphore, #tpu.memory_space<semaphore_mem>>) src(%arg7 : memref<128x64xi32, #tpu.memory_space<vmem>>) dst(%dma_wait3A_68 : memref<128x64xi32, #tpu.memory_space<hbm>>)
      %dma_wait3A_69 = arith.constant 0 : i32
      %dma_wait3A_70 = tpu.memref_slice %arg4[%arg0, %add3A_56, %dma_wait3A_69] : memref<2x102400x64xi32, #tpu.memory_space<hbm>> -> memref<1x128x64xi32, #tpu.memory_space<hbm>>
      %dma_wait3A_71 = tpu.memref_squeeze %dma_wait3A_70 : memref<1x128x64xi32, #tpu.memory_space<hbm>> -> memref<128x64xi32, #tpu.memory_space<hbm>>
      %dma_wait3A_72 = arith.constant 0 : i32
      %dma_wait3A_73 = tpu.memref_slice %arg4[%arg0, %add3A_56, %dma_wait3A_72] : memref<2x102400x64xi32, #tpu.memory_space<hbm>> -> memref<1x128x64xi32, #tpu.memory_space<hbm>>
      %dma_wait3A_74 = tpu.memref_squeeze %dma_wait3A_73 : memref<1x128x64xi32, #tpu.memory_space<hbm>> -> memref<128x64xi32, #tpu.memory_space<hbm>>
      tpu.wait_dma2 semaphore(%arg12 : memref<!tpu.dma_semaphore, #tpu.memory_space<semaphore_mem>>) src(%arg8 : memref<128x64xi32, #tpu.memory_space<vmem>>) dst(%dma_wait3A_74 : memref<128x64xi32, #tpu.memory_space<hbm>>)
    }
    %scan3A_7 = arith.constant 25 : i32
    return
  }
}

module attributes {stable_mosaic.version = 14 : i64} {
  func.func @_matmul_a_body(%arg0: i32, %arg1: memref<2000x128xf32, #tpu.memory_space<vmem>>, %arg2: memref<128x128xf32, #tpu.memory_space<vmem>>, %arg3: memref<2000x64xi32, #tpu.memory_space<vmem>>) attributes {dimension_semantics = [#tpu.dimension_semantics<arbitrary>], iteration_bounds = array<i64: 25>, scalar_prefetch = 0 : i64, scratch_operands = 0 : i64, tpu.core_type = #tpu.core_type<tc>, window_params = [{transform_indices = @transform_0, window_bounds = array<i64: 2000, 128>}, {pipeline_mode = #tpu.pipeline_mode<synchronous>, transform_indices = @transform_1, window_bounds = array<i64: 128, 128>}, {transform_indices = @transform_2, window_bounds = array<i64: 2000, 64>}]} {
    %get3A = arith.constant 0 : index
    %get3A_0 = arith.constant 0 : index
    %get3A_1 = vector.load %arg1[%get3A, %get3A_0] : memref<2000x128xf32, #tpu.memory_space<vmem>>, vector<2000x128xf32>
    %convert_element_type3A = arith.truncf %get3A_1 : vector<2000x128xf32> to vector<2000x128xbf16>
    %get3A_2 = arith.constant 0 : index
    %get3A_3 = arith.constant 0 : index
    %get3A_4 = vector.load %arg2[%get3A_2, %get3A_3] : memref<128x128xf32, #tpu.memory_space<vmem>>, vector<128x128xf32>
    %convert_element_type3A_5 = arith.truncf %get3A_4 : vector<128x128xf32> to vector<128x128xbf16>
    %dot_general3A = arith.constant dense<0.000000e+00> : vector<2000x128xf32>
    %dot_general3A_6 = tpu.matmul %convert_element_type3A, %convert_element_type3A_5, %dot_general3A {dimension_numbers = #tpu.dot_dimension_numbers<[1], [0], [0], [1], [0, 0, 1, 1], [], []>, transpose_lhs_hint = false} : vector<2000x128xbf16>, vector<128x128xbf16>, vector<2000x128xf32> -> vector<2000x128xf32>
    %slice3A = vector.extract_strided_slice %dot_general3A_6 {offsets = [0, 0], sizes = [2000, 64], strides = [1, 1]} : vector<2000x128xf32> to vector<2000x64xf32>
    %bitcast_convert_type3A = tpu.bitcast %slice3A : vector<2000x64xf32> -> vector<2000x64xi32>
    %slice3A_7 = vector.extract_strided_slice %dot_general3A_6 {offsets = [0, 64], sizes = [2000, 64], strides = [1, 1]} : vector<2000x128xf32> to vector<2000x64xf32>
    %bitcast_convert_type3A_8 = tpu.bitcast %slice3A_7 : vector<2000x64xf32> -> vector<2000x64xi32>
    %shift_right_logical3A = arith.constant 16 : i32
    %shift_right_logical3A_9 = vector.broadcast %shift_right_logical3A : i32 to vector<2000x64xi32>
    %shift_right_logical3A_10 = arith.shrui %bitcast_convert_type3A, %shift_right_logical3A_9 : vector<2000x64xi32>
    %and3A = arith.constant -65536 : i32
    %and3A_11 = vector.broadcast %and3A : i32 to vector<2000x64xi32>
    %and3A_12 = arith.andi %bitcast_convert_type3A_8, %and3A_11 : vector<2000x64xi32>
    %or3A = arith.ori %shift_right_logical3A_10, %and3A_12 : vector<2000x64xi32>
    %swap3A = arith.constant 0 : index
    %swap3A_13 = arith.constant 0 : index
    %swap3A_14 = vector.load %arg3[%swap3A, %swap3A_13] : memref<2000x64xi32, #tpu.memory_space<vmem>>, vector<2000x64xi32>
    tpu.vector_store %arg3[%swap3A, %swap3A_13], %or3A {strides = array<i32>} : memref<2000x64xi32, #tpu.memory_space<vmem>>, vector<2000x64xi32>,
    return
  }
  func.func @transform_0(%arg0: i32) -> (i32, i32) {
    %c0_i32 = arith.constant 0 : i32
    %c0_i32_0 = arith.constant 0 : i32
    return %arg0, %c0_i32 : i32, i32
  }
  func.func @transform_1(%arg0: i32) -> (i32, i32) {
    %c0_i32 = arith.constant 0 : i32
    %c0_i32_0 = arith.constant 0 : i32
    %c0_i32_1 = arith.constant 0 : i32
    return %c0_i32, %c0_i32_0 : i32, i32
  }
  func.func @transform_2(%arg0: i32) -> (i32, i32) {
    %c0_i32 = arith.constant 0 : i32
    %c0_i32_0 = arith.constant 0 : i32
    return %arg0, %c0_i32 : i32, i32
  }
}

module attributes {stable_mosaic.version = 14 : i64} {
  func.func @_final_body(%arg0: i32, %arg1: i32, %arg2: memref<1x4000x128xf32, #tpu.memory_space<vmem>>, %arg3: memref<1x2000x128xi32, #tpu.memory_space<vmem>>, %arg4: memref<4000x1xf32, #tpu.memory_space<vmem>>, %arg5: memref<128x128xf32, #tpu.memory_space<vmem>>, %arg6: memref<1x128xf32, #tpu.memory_space<vmem>>, %arg7: memref<1x4000x128xf32, #tpu.memory_space<vmem>>) attributes {dimension_semantics = [#tpu.dimension_semantics<arbitrary>, #tpu.dimension_semantics<arbitrary>], iteration_bounds = array<i64: 2, 25>, scalar_prefetch = 0 : i64, scratch_operands = 0 : i64, tpu.core_type = #tpu.core_type<tc>, window_params = [{transform_indices = @transform_0, window_bounds = array<i64: 1, 4000, 128>}, {transform_indices = @transform_1, window_bounds = array<i64: 1, 2000, 128>}, {transform_indices = @transform_2, window_bounds = array<i64: 4000, 1>}, {pipeline_mode = #tpu.pipeline_mode<synchronous>, transform_indices = @transform_3, window_bounds = array<i64: 128, 128>}, {pipeline_mode = #tpu.pipeline_mode<synchronous>, transform_indices = @transform_4, window_bounds = array<i64: 1, 128>}, {transform_indices = @transform_5, window_bounds = array<i64: 1, 4000, 128>}]} {
    %get3A = arith.constant 0 : index
    %get3A_0 = arith.constant 0 : index
    %get3A_1 = vector.load %arg4[%get3A, %get3A_0] : memref<4000x1xf32, #tpu.memory_space<vmem>>, vector<4000x1xf32>
    %add3A = arith.constant 0.00999999977 : f32
    %add3A_2 = vector.broadcast %add3A : f32 to vector<4000x1xf32>
    %add3A_3 = arith.addf %get3A_1, %add3A_2 : vector<4000x1xf32>
    %div3A = arith.constant 1.000000e+00 : f32
    %div3A_4 = vector.broadcast %div3A : f32 to vector<4000x1xf32>
    %div3A_5 = arith.divf %div3A_4, %add3A_3 : vector<4000x1xf32>
    %get3A_6 = arith.constant 0 : index
    %get3A_7 = arith.constant 0 : index
    %get3A_8 = arith.constant 0 : index
    %get3A_9 = vector.load %arg2[%get3A_6, %get3A_7, %get3A_8] : memref<1x4000x128xf32, #tpu.memory_space<vmem>>, vector<1x4000x128xf32>
    %get3A_10 = vector.shape_cast %get3A_9 : vector<1x4000x128xf32> to vector<4000x128xf32>
    %convert_element_type3A = arith.truncf %get3A_10 : vector<4000x128xf32> to vector<4000x128xbf16>
    %get3A_11 = arith.constant 0 : index
    %get3A_12 = arith.constant 0 : index
    %get3A_13 = vector.load %arg5[%get3A_11, %get3A_12] : memref<128x128xf32, #tpu.memory_space<vmem>>, vector<128x128xf32>
    %convert_element_type3A_14 = arith.truncf %get3A_13 : vector<128x128xf32> to vector<128x128xbf16>
    %dot_general3A = arith.constant dense<0.000000e+00> : vector<4000x128xf32>
    %dot_general3A_15 = tpu.matmul %convert_element_type3A, %convert_element_type3A_14, %dot_general3A {dimension_numbers = #tpu.dot_dimension_numbers<[1], [0], [0], [1], [0, 0, 1, 1], [], []>, transpose_lhs_hint = false} : vector<4000x128xbf16>, vector<128x128xbf16>, vector<4000x128xf32> -> vector<4000x128xf32>
    %get3A_16 = arith.constant 0 : index
    %get3A_17 = arith.constant 0 : index
    %get3A_18 = arith.constant 0 : index
    %get3A_19 = vector.load %arg3[%get3A_16, %get3A_17, %get3A_18] : memref<1x2000x128xi32, #tpu.memory_space<vmem>>, vector<1x2000x128xi32>
    %get3A_20 = vector.shape_cast %get3A_19 : vector<1x2000x128xi32> to vector<2000x128xi32>
    %slice3A = vector.extract_strided_slice %get3A_20 {offsets = [0, 0], sizes = [2000, 64], strides = [1, 1]} : vector<2000x128xi32> to vector<2000x64xi32>
    %shift_left3A = arith.constant 16 : i32
    %shift_left3A_21 = vector.broadcast %shift_left3A : i32 to vector<2000x64xi32>
    %shift_left3A_22 = arith.shli %slice3A, %shift_left3A_21 : vector<2000x64xi32>
    %bitcast_convert_type3A = tpu.bitcast %shift_left3A_22 : vector<2000x64xi32> -> vector<2000x64xf32>
    %and3A = arith.constant -65536 : i32
    %and3A_23 = vector.broadcast %and3A : i32 to vector<2000x64xi32>
    %and3A_24 = arith.andi %slice3A, %and3A_23 : vector<2000x64xi32>
    %bitcast_convert_type3A_25 = tpu.bitcast %and3A_24 : vector<2000x64xi32> -> vector<2000x64xf32>
    %concatenate3A = tpu.concatenate %bitcast_convert_type3A, %bitcast_convert_type3A_25 in 1 : vector<2000x64xf32>, vector<2000x64xf32> -> vector<2000x128xf32>
    %slice3A_26 = vector.extract_strided_slice %get3A_20 {offsets = [0, 64], sizes = [2000, 64], strides = [1, 1]} : vector<2000x128xi32> to vector<2000x64xi32>
    %shift_left3A_27 = arith.constant 16 : i32
    %shift_left3A_28 = vector.broadcast %shift_left3A_27 : i32 to vector<2000x64xi32>
    %shift_left3A_29 = arith.shli %slice3A_26, %shift_left3A_28 : vector<2000x64xi32>
    %bitcast_convert_type3A_30 = tpu.bitcast %shift_left3A_29 : vector<2000x64xi32> -> vector<2000x64xf32>
    %and3A_31 = arith.constant -65536 : i32
    %and3A_32 = vector.broadcast %and3A_31 : i32 to vector<2000x64xi32>
    %and3A_33 = arith.andi %slice3A_26, %and3A_32 : vector<2000x64xi32>
    %bitcast_convert_type3A_34 = tpu.bitcast %and3A_33 : vector<2000x64xi32> -> vector<2000x64xf32>
    %concatenate3A_35 = tpu.concatenate %bitcast_convert_type3A_30, %bitcast_convert_type3A_34 in 1 : vector<2000x64xf32>, vector<2000x64xf32> -> vector<2000x128xf32>
    %concatenate3A_36 = tpu.concatenate %concatenate3A, %concatenate3A_35 in 0 : vector<2000x128xf32>, vector<2000x128xf32> -> vector<4000x128xf32>
    %mul3A = vector.broadcast %div3A_5 : vector<4000x1xf32> to vector<4000x128xf32>
    %mul3A_37 = arith.mulf %mul3A, %concatenate3A_36 : vector<4000x128xf32>
    %add3A_38 = arith.addf %dot_general3A_15, %mul3A_37 : vector<4000x128xf32>
    %get3A_39 = arith.constant 0 : index
    %get3A_40 = arith.constant 0 : index
    %get3A_41 = vector.load %arg6[%get3A_39, %get3A_40] : memref<1x128xf32, #tpu.memory_space<vmem>>, vector<1x128xf32>
    %add3A_42 = vector.broadcast %get3A_41 : vector<1x128xf32> to vector<4000x128xf32>
    %add3A_43 = arith.addf %add3A_38, %add3A_42 : vector<4000x128xf32>
    %swap3A = arith.constant 0 : index
    %swap3A_44 = arith.constant 0 : index
    %swap3A_45 = arith.constant 0 : index
    %swap3A_46 = vector.load %arg7[%swap3A, %swap3A_44, %swap3A_45] : memref<1x4000x128xf32, #tpu.memory_space<vmem>>, vector<1x4000x128xf32>
    %swap3A_47 = vector.shape_cast %swap3A_46 : vector<1x4000x128xf32> to vector<4000x128xf32>
    %swap3A_48 = vector.shape_cast %add3A_43 : vector<4000x128xf32> to vector<1x4000x128xf32>
    tpu.vector_store %arg7[%swap3A, %swap3A_44, %swap3A_45], %swap3A_48 {strides = array<i32>} : memref<1x4000x128xf32, #tpu.memory_space<vmem>>, vector<1x4000x128xf32>,
    return
  }
  func.func @transform_0(%arg0: i32, %arg1: i32) -> (i32, i32, i32) {
    %c0_i32 = arith.constant 0 : i32
    %c0_i32_0 = arith.constant 0 : i32
    return %arg0, %arg1, %c0_i32 : i32, i32, i32
  }
  func.func @transform_1(%arg0: i32, %arg1: i32) -> (i32, i32, i32) {
    %c0_i32 = arith.constant 0 : i32
    %c0_i32_0 = arith.constant 0 : i32
    return %arg0, %arg1, %c0_i32 : i32, i32, i32
  }
  func.func @transform_2(%arg0: i32, %arg1: i32) -> (i32, i32) {
    %c0_i32 = arith.constant 0 : i32
    %c0_i32_0 = arith.constant 0 : i32
    return %arg1, %c0_i32 : i32, i32
  }
  func.func @transform_3(%arg0: i32, %arg1: i32) -> (i32, i32) {
    %c0_i32 = arith.constant 0 : i32
    %c0_i32_0 = arith.constant 0 : i32
    %c0_i32_1 = arith.constant 0 : i32
    return %c0_i32, %c0_i32_0 : i32, i32
  }
  func.func @transform_4(%arg0: i32, %arg1: i32) -> (i32, i32) {
    %c0_i32 = arith.constant 0 : i32
    %c0_i32_0 = arith.constant 0 : i32
    %c0_i32_1 = arith.constant 0 : i32
    return %c0_i32, %c0_i32_0 : i32, i32
  }
  func.func @transform_5(%arg0: i32, %arg1: i32) -> (i32, i32, i32) {
    %c0_i32 = arith.constant 0 : i32
    %c0_i32_0 = arith.constant 0 : i32
    return %arg0, %arg1, %c0_i32 : i32, i32, i32
  }
}

</mosaic_0001>

<sc_bundles>
// kernel: gather_offload_async_start
scs
__scs_entry_jumppad:
0x0: {  	(pc) =	sbr.rel $0x88, $3  }
0x1: {  	(tag) =	ssettag $0x0;
	lr =	simm.s32 $0x1  }
0x2: {  	[smem:$0x3F9B] =	sst lr;
	_ =	strace $0xD0000000  }
0x3: {  	_ = 	snop  }
0x4: {  	_ = 	snop  }
0x5: {  	_ = 	snop  }
0x6: {  	_ = 	snop  }
0x7: {  	_ = 	snop  }
__scs_overlays_trampoline_lowered:
0x8: {  	[smem:$0x3FAA] =	sst s0  }
0x9: {  	[smem:$0x3FAB] =	sst s1  }
0xa: {  	[smem:$0x3FAC] =	sst s2  }
0xb: {  	[smem:$0x3FAD] =	sst s3  }
0xc: {  	[smem:$0x3FAE] =	sst s4  }
0xd: {  	[smem:$0x3FAF] =	sst s5  }
0xe: {  	[smem:$0x3FB0] =	sst s6  }
0xf: {  	[smem:$0x3FB1] =	sst s7  }
0x10: {  	[smem:$0x3FB2] =	sst s8  }
0x11: {  	[smem:$0x3FB3] =	sst s9;
	s0 =	simm.s32 @!p0 $0x0  }
0x12: {  	s1 =	sld [smem:$0x3F99];
	s0 =	simm.s32 @p0 $0x1  }
0x13: {  	[smem:$0x3FB4] =	sst s0;
	s0 =	simm.s32 @!p1 $0x0  }
0x14: {  	s2 =	sld [smem:$0x3F98];
	s0 =	simm.s32 @p1 $0x1  }
0x15: {  	[smem:$0x3FB5] =	sst s0;
	s0 =	simm.s32 @!p2 $0x0  }
0x16: {  	s3 =	sld [smem:$0x3FDB];
	s0 =	simm.s32 @p2 $0x1  }
0x17: {  	s4 =	simm.s32 $0x1BF5;
	[smem:$0x3FB7] =	sst s0  }
0x18: {  	s0 =	sld [smem:$0x3F9A];
	_ =	swait.ge [sflag:s4], $0x0  }
0x19: {  	s7 =	sld [smem:$0x3F9B]  }
0x1a: {  	s8 =	sadd.s32 $0xFFFFE003, lr  }
0x1b: {  	s9 =	sadd.s32 $0xFFFFFEF7, lr;
	s5 =	simm.s32 $0xFFFFFFFF;
	p2 =	slt.u32 s8, $0xFFFFF086  }
0x1c: {  	p1 =	slt.u32 s9, $0xF7A;
	s5 =	simm.s32 @!p2 $0x0  }
0x1d: {  	s5 =	simm.s32 @p1 $0x1;
	p0 =	seq.s32 s7, s2  }
0x1e: {  	s7 =	smul.u32 @!p0 $0xF7A, s2;
	p2 =	seq.s32 @!p0 s5, $0x0  }
0x1f: {  	s9 =	smul.u32 $0xF7A, s1;
	s8 =	simm.s32 @!p0 $0x1BF5;
	p2 =	por !p2, p0  }
0x20: {  	[sflag:s8] =	ssyncset.s32 @!p0 $0xFFFFF086;
	s6 =	sadd.s32 @!p0 s3, s7;
	s7 =	simm.s32 @!p0 $0x108  }
0x21: {  	s3 =	sadd.s32 s3, s9;
	s6 =	sadd.s32 @!p0 $0x88, s6;
	s7 =	simm.s32 @p2 $0x1082  }
0x22: {  	[simem:s7], [sflag:s8] =	dma.local @!p0 [hbm:s6], $0xF7A  }
0x23: {  	s9 =	sor.u32 $0xD0000000, s2;
	s6 =	simm.s32 $0x108;
	_ =	swait.ge @!p0 [sflag:s8], $0x0  }
0x24: {  	s3 =	sadd.s32 $0x88, s3;
	s6 =	simm.s32 @!p1 $0x1082;
	[sflag:s4] =	ssyncset.s32 $0xFFFFF086  }
0x25: {  	[simem:s6], [sflag:s4] =	dma.local [hbm:s3], $0xF7A  }
0x26: {  	[smem:$0x3F9B] =	sst s1;
	(tag) =	ssettag s2;
	_ =	strace s9  }
0x27: {  	s1 =	sld [smem:$0x3FAB]  }
0x28: {  	s2 =	sld [smem:$0x3FAC]  }
0x29: {  	s4 =	sld [smem:$0x3FAE]  }
0x2a: {  	p0 =	seq.s32 s5, $0x0;
	s5 =	sld [smem:$0x3FAF]  }
0x2b: {  	s6 =	sld [smem:$0x3FB0]  }
0x2c: {  	s7 =	sld [smem:$0x3FB1]  }
0x2d: {  	s3 =	simm.s32 $0x108;
	s8 =	sld [smem:$0x3FB2]  }
0x2e: {  	s3 =	simm.s32 @!p0 $0x1082;
	s9 =	sld [smem:$0x3FB3]  }
0x2f: {  	lr =	sadd.s32 s0, s3;
	s0 =	sld [smem:$0x3FAA]  }
0x30: {  	s3 =	sld [smem:$0x3FAD]  }
0x31: {  	[smem:$0x3FB6] =	sst s10  }
0x32: {  	s10 =	sld [smem:$0x3FB4];
	_ =	sdelay $0x3  }
0x33: {  	p0 =	seq.s32 s10, $0x1;
	s10 =	sld [smem:$0x3FB6];
	_ =	sdelay $0x3  }
0x34: {  	[smem:$0x3FB6] =	sst s10  }
0x35: {  	s10 =	sld [smem:$0x3FB5];
	_ =	sdelay $0x3  }
0x36: {  	p1 =	seq.s32 s10, $0x1;
	s10 =	sld [smem:$0x3FB6];
	_ =	sdelay $0x3  }
0x37: {  	[smem:$0x3FB6] =	sst s10  }
0x38: {  	s10 =	sld [smem:$0x3FB7]  }
0x39: {  	_ = 	snop;
	(pc) =	sbr.ind lr, $3  }
0x3a: {  	_ = 	snop  }
0x3b: {  	_ = 	snop  }
0x3c: {  	p2 =	seq.s32 s10, $0x1;
	s10 =	sld [smem:$0x3FB6]  }
0x3d: {  	_ =	shalt  }
0x3e: {  	_ =	shalt  }
0x3f: {  	_ =	shalt  }
0x40: {  	_ =	shalt  }
0x41: {  	_ =	shalt  }
0x42: {  	_ =	shalt  }
0x43: {  	_ =	shalt  }
0x44: {  	_ =	shalt  }
0x45: {  	_ =	shalt  }
0x46: {  	_ =	shalt  }
0x47: {  	_ =	shalt  }
0x48: {  	_ =	shalt  }
0x49: {  	_ =	shalt  }
0x4a: {  	_ =	shalt  }
0x4b: {  	_ =	shalt  }
0x4c: {  	_ =	shalt  }
0x4d: {  	_ =	shalt  }
0x4e: {  	_ =	shalt  }
0x4f: {  	_ =	shalt  }
0x50: {  	_ =	shalt  }
0x51: {  	_ =	shalt  }
0x52: {  	_ =	shalt  }
0x53: {  	_ =	shalt  }
0x54: {  	_ =	shalt  }
0x55: {  	_ =	shalt  }
0x56: {  	_ =	shalt  }
0x57: {  	_ =	shalt  }
0x58: {  	_ =	shalt  }
0x59: {  	_ =	shalt  }
0x5a: {  	_ =	shalt  }
0x5b: {  	_ =	shalt  }
0x5c: {  	_ =	shalt  }
0x5d: {  	_ =	shalt  }
0x5e: {  	_ =	shalt  }
0x5f: {  	_ =	shalt  }
0x60: {  	_ =	shalt  }
0x61: {  	_ =	shalt  }
0x62: {  	_ =	shalt  }
0x63: {  	_ =	shalt  }
0x64: {  	_ =	shalt  }
0x65: {  	_ =	shalt  }
0x66: {  	_ =	shalt  }
0x67: {  	_ =	shalt  }
0x68: {  	_ =	shalt  }
0x69: {  	_ =	shalt  }
0x6a: {  	_ =	shalt  }
0x6b: {  	_ =	shalt  }
0x6c: {  	_ =	shalt  }
0x6d: {  	_ =	shalt  }
0x6e: {  	_ =	shalt  }
0x6f: {  	_ =	shalt  }
0x70: {  	_ =	shalt  }
0x71: {  	_ =	shalt  }
0x72: {  	_ =	shalt  }
0x73: {  	_ =	shalt  }
0x74: {  	_ =	shalt  }
0x75: {  	_ =	shalt  }
0x76: {  	_ =	shalt  }
0x77: {  	_ =	shalt  }
0x78: {  	_ =	shalt  }
0x79: {  	_ =	shalt  }
0x7a: {  	_ =	shalt  }
0x7b: {  	_ =	shalt  }
0x7c: {  	_ =	shalt  }
0x7d: {  	_ =	shalt  }
0x7e: {  	_ =	shalt  }
0x7f: {  	_ =	shalt  }
0x80: {  	_ =	shalt  }
0x81: {  	_ =	shalt  }
0x82: {  	_ =	shalt  }
0x83: {  	_ =	shalt  }
0x84: {  	_ =	shalt  }
0x85: {  	_ =	shalt  }
0x86: {  	_ =	shalt  }
0x87: {  	_ =	shalt  }
.Lfunc_end0:
.L_simem_size_0:
called_computation_lowered:
.L_overlay_start_0:
0x88: {  	s2 =	sld [smem:$0x3FD9]  }
0x89: {  	s3 =	sld [smem:$0x3FFE];
	_ =	sdelay $0x1  }
0x8a: {  	s1 =	srdreg.scid  }
0x8b: {  	s0 =	sand.u32 $0x1, s1  }
0x8c: {  	s17 =	sshll.u32 s0, $0xA;
	s2 =	sadd.s32 s3, s2  }
0x8d: {  	s2 =	sadd.s32 s2, s17  }
0x8e: {  	[smem:$0x3FC2] =	sst s2  }
0x8f: {  	_ = 	snop  }
0x90: {  	s2 =	sld [smem:$0x3FC7];
	(tm) =	ssettm $0x1  }
0x91: {  	s18 =	sld [smem:$0x3FFB];
	_ =	sdelay $0x3  }
0x92: {  	_ =	strace s18  }
0x93: {  	s3 =	sld [smem:$0x3FFC];
	_ =	sdelay $0x3  }
0x94: {  	_ =	strace s3  }
0x95: {  	s3 =	sld [smem:$0x3FFD];
	_ =	sdelay $0x3  }
0x96: {  	_ =	strace s3  }
0x97: {  	_ =	strace $0x8FFFFFFF  }
0x98: {  	s19 =	sld [smem:$0x3FDB];
	_ =	sdelay $0x1  }
0x99: {  	s4 =	simm.s32 $_scs_section_size  }
0x9a: {  	s5 =	simm.s32 $_size__tile_overlayer_lowered;
	s6 =	simm.s32 $_tile_overlayer_lowered  }
0x9b: {  	s22 =	simm.s32 $0x1BFF;
	s21 =	sshll.u32 s6, $0x1;
	s3 =	sadd.s32 s4, s19  }
0x9c: {  	s7 =	simm.s32 $0x0;
	s20 =	sshll.u32 s5, $0x1;
	s5 =	sadd.s32 s21, s3  }
0x9d: {  	[timem:s7], [sflag:s22] =	dma.local [hbm:s5], s20  }
0x9e: {  	_ =	swait.ge [sflag:s22], s20  }
0x9f: {  	s4 =	ssub.s32 $0x0, s20;
	[sflag:s22] =	ssyncset.done $0x0  }
0xa0: {  	[sflag:s22] =	ssyncadd.s32 s4;
	_ =	sdelay $0x1  }
0xa1: {  	s23 =	simm.s32 $0x1B8B  }
0xa2: {  	_ =	swait.ge [sflag:s23], $0x1  }
0xa3: {  	[sflag:s23] =	ssyncset.done $0x0  }
0xa4: {  	s25 =	simm.s32 $0x1B8E;
	s24 =	sld [smem:$0x3FFE];
	[sflag:s23] =	ssyncadd.s32 $0xFFFFFFFF  }
0xa5: {  	s26 =	simm.s32 $execute0_lowered;
	[smem:$0x3FD2] =	sst s25  }
0xa6: {  	s5 =	sshll.u32 s26, $0x1;
	_ =	strace $0x80000046;
	[dreg:$0x1] =	wrdreg $0xFFFFFFFF  }
0xa7: {  	s28 =	simm.s32 $_size_execute0_lowered;
	s3 =	sadd.s32 s3, s5;
	[dreg:$0x0] =	wrdreg $0x0  }
0xa8: {  	s5 =	sshll.u32 s28, $0x1;
	[dreg:$0x2] =	wrdreg s3  }
0xa9: {  	[dreg:$0x3] =	wrdreg s5  }
0xaa: {  	[dreg:$0x4] =	wrdreg $0xC0  }
0xab: {  	_ =	task [dreg:s7], $0x5FFFF  }
0xac: {  	[dreg:$0x1] =	wrdreg $0xFFFFFFFF  }
0xad: {  	[dreg:$0x0] =	wrdreg $0x60  }
0xae: {  	[dreg:$0x2] =	wrdreg s2  }
0xaf: {  	[dreg:$0x3] =	wrdreg s24  }
0xb0: {  	[dreg:$0x4] =	wrdreg $0x9  }
0xb1: {  	_ =	task.clear_ibuf [dreg:s7], $0x5FFFF;
	_ =	strace $0x90000046  }
0xb2: {  	s29 =	simm.s32 $0x9;
	_ =	strace $0x80000048  }
0xb3: {  	_ =	swait.ge [sflag:s29], $0x1  }
0xb4: {  	[sflag:s29] =	ssyncadd.s32 $0xFFFFFFFF  }
0xb5: {  	_ =	strace $0x90000048  }
0xb6: {  	_ =	sfence  }
0xb7: {  	s30 =	sld [smem:$0x0];
	_ =	sdelay $0x2  }
0xb8: {  	s31 =	sshll.u32 s1, $0xD;
	s1 =	sshrl.u32 s1, $0x2  }
0xb9: {  	s3 =	sand.u32 $0x4000, s31;
	s1 =	sadd.s32 s1, s30  }
0xba: {  	s0 =	sor.u32 s3, s0;
	s1 =	sshll.u32 s1, $0x11  }
0xbb: {  	s0 =	sor.u32 s1, s0  }
0xbc: {  	s0 =	sadd.s32 $0x8F2B, s0  }
0xbd: {  	[sflag:s0] =	ssyncadd.remote.s32 $0x1  }
0xbe: {  	_ =	sfence.sel $0xFFFF  }
0xbf: {  	[dreg:$0x0] =	wrdreg $0xFFFFFFFF;
	(pc) =	sbr.abs _section_cstart, $3  }
0xc0: {  	[dreg:$0x1] =	wrdreg $0xFFFFFFFF  }
0xc1: {  	_ =	task.clear_ibuf [dreg:s7], $0x2FFFF;
	_ =	strace $0x9FFFFFFF  }
0xc2: {  	(tm) =	ssettm $0x7FFFFFFF  }
0xc3: {  	_ =	shalt  }
tec
execute0_lowered:
.L_overlay_start_1:
0x0: {  	(tag) =	ssettag $0x1  }
0x1: {  	s2 =	rddreg [dreg:$0x0]  }
0x2: {  	s8 =	rddreg [dreg:$0x1]  }
0x3: {  	s0 =	rddreg [dreg:$0x2];
	s1 =	stileid.u32  }
0x4: {  	s3 =	srdreg.scid;
	_ =	strace $0x80000047;
	s4 =	simm.s32 $0x1  }
0x5: {  	s7 =	simm.s32 $0x1;
	s9 =	simm.s32 $0x1;
	s10 =	simm.s32 $0x3  }
0x6: {  	s13 =	simm.s32 $0x0;
	s5 =	sand.u32 $0x1, s3;
	s6 =	sshll.u32 s1, $0x1  }
0x7: {  	s12 =	simm.s32 $0x0;
	s3 =	sadd.s32 $0x1600, s8;
	s5 =	sor.u32 s6, s5  }
.Ltmp0:
0x8: {  	[sflag:s4] =	ssyncpa.u1 $0x0;
	p0 =	slt.u32 s5, $0x13;
	(pc) =	sbr.rel .LBB2_1-.Ltmp0, $4  }
0x9: {  	s6 =	simm.s32 $0x2;
	s7 =	simm.s32 @!p0 $0x0;
	p0 =	sne.s32 s5, $0x12  }
0xa: {  	[sflag:s6] =	ssyncpa.u1 $0x0;
	s5 =	smul.u32 $0x7D0, s5;
	s9 =	simm.s32 @!p0 $0x0  }
0xb: {  	s8 =	sadd.s32 $0x4800, s8;
	[sflag:s10] =	ssyncpa.u1 $0x0;
	s7 =	sadd.s32 s9, s7  }
0xc: {  	vm0 =	vmmov $0xffff;
	s10 =	simm.s32 $0x0;
	s11 =	smov.u32 s5;
	s9 =	sadd.s32 $0x1, s7  }
.LBB2_4:
0xd: {  	v2 =	vnsel vm1, $0x0, v2  }
0xe: {  	vm1 =	vgt.s32 v0, $0x0;
	v2 =	vmin.u32 v2, $0x1869F  }
0xf: {  	v0 =	vnsel vm1, $0x0, v0  }
0x10: {  	v0 =	vmin.u32 v0, $0x1869F  }
0x11: {  	[tilespmem:s18], [sflag:$0x1] =	stream.indirect_vreg.gather [hbm4b:s2+s10], $0x1, v1, vm0, $0x4038;
	[tilespmem:$0x1F40] =	vst v63  }
0x12: {  	(ifvalue) =	ssetifvalue $0x7FFFFFFF  }
0x13: {  	[tilespmem:s15], [sflag:$0x1] =	stream.indirect_vreg.gather [hbm4b:s2+s10], $0x1, v2, vm0, $0x4038;
	[tilespmem:$0x1F40] =	vst v63  }
0x14: {  	s29 =	sadd.s32 $0x10, s15;
	(ifvalue) =	ssetifvalue $0x7FFFFFFF  }
0x15: {  	[tilespmem:s29], [sflag:$0x1] =	stream.indirect_vreg.gather [hbm4b:s2+s10], $0x1, v0, vm0, $0x4038;
	[tilespmem:$0x1F40] =	vst v63  }
0x16: {  	_ =	swait.ge [sflag:s4], $0x7D0  }
0x17: {  	s30 =	sshrl.u32 s13, $0x3;
	[sflag:s4] =	ssyncset.done $0x0  }
0x18: {  	s31 =	sand.u32 $0x7, s13;
	s15 =	sadd.s32 s8, s30;
	[sflag:s4] =	ssyncadd.s32 $0xFFFFF830  }
0x19: {  	[hbm4b:s15+s31] =	stream.linear.scatter [tilespmem:s14], [sflag:$0x3], $0x7D0, $0x38;
	[tilespmem:$0x1F40] =	vst v63  }
.LBB2_5:
0x1a: {  	s15 =	sadd.s32 $0xFA00, s11  }
0x1b: {  	p1 =	sgt.s32 s15, $0x1869F  }
0x1c: {  	s15 =	smov.u32 @p1 s5;
	p1 =	sne.s32 s12, s9  }
.Ltmp1:
0x1d: {  	p0 =	slt.u32 s12, $0x2;
	(pc) =	sbr.rel @!p1 .LBB2_6-.Ltmp1, $4  }
0x1e: {  	s14 =	simm.s32 @!p0 $0x3  }
0x1f: {  	_ =	swait.ge @!p0 [sflag:s14], $0x7D0  }
0x20: {  	s16 =	sadd.s32 $0x1, s12;
	s13 =	smov.u32 s11;
	[sflag:s14] =	ssyncset.done @!p0 $0x0  }
0x21: {  	s12 =	smov.u32 s16;
	s11 =	smov.u32 s15;
	[sflag:s14] =	ssyncadd.s32 @!p0 $0xFFFFF830  }
.LBB2_1:
0x22: {  	p0 =	sge.u32 s12, s7  }
0x23: {  	s14 =	sxor.u32 @!p0 $0x1, s12  }
0x24: {  	s14 =	smul.u32 @!p0 $0x1F40, s14  }
0x25: {  	s31 =	sadd.s32 $0xFFFFFFFF, s12;
	s15 =	sshrl.u32 @!p0 s11, $0x3  }
0x26: {  	s16 =	sand.u32 @!p0 $0x7, s11;
	s15 =	sadd.s32 @!p0 s3, s15;
	s14 =	sshra.s32 @!p0 s14, $0x2  }
0x27: {  	[tilespmem:s14], [sflag:$0x2] =	stream.linear.gather @!p0 [hbm4b:s15+s16], $0x7D0, $0x38;
	[tilespmem:$0x1F40] =	vst v63  }
0x28: {  	p0 =	sge.u32 s31, s7  }
.Ltmp2:
0x29: {  	_ = 	snop;
	(pc) =	sbr.rel @p0 .LBB2_5-.Ltmp2, $1  }
0x2a: {  	_ =	sdelay $0x3  }
0x2b: {  	s14 =	sand.u32 $0x1, s12  }
0x2c: {  	_ =	swait.ge [sflag:s6], $0x7D0;
	p0 =	seq.s32 s14, $0x1;
	s14 =	simm.s32 $0x7D0  }
0x2d: {  	[sflag:s6] =	ssyncset.done $0x0;
	s14 =	simm.s32 @!p0 $0x0  }
0x2e: {  	[sflag:s6] =	ssyncadd.s32 $0xFFFFF830;
	(ifvalue) =	ssetifvalue $0x7FFFFFFF;
	v0 =	vld.msk [tilespmem:s14+$0x0 ss:$0x1], $0xffff;
	_ =	sdelay $0x4  }
0x2f: {  	s15 =	sadd.s32 $0x10, s14;
	vm1 =	vgt.s32 v0, $0x0  }
0x30: {  	v2 =	vld.msk [tilespmem:s15+$0x0 ss:$0x1], $0xffff;
	v1 =	vnsel vm1, $0x0, v0  }
0x31: {  	v1 =	vmin.u32 v1, $0x1869F;
	_ =	sdelay $0x2  }
0x32: {  	s17 =	simm.s32 $0x20;
	s14 =	sadd.s32 $0xFA0, s14;
	s16 =	sadd.s32 $0x10, s15  }
0x33: {  	s15 =	sadd.s32 $0x10, s14;
	s18 =	smov.u32 s14;
	v0 =	vld.msk [tilespmem:s16+$0x0 ss:$0x1], $0xffff;
	vm1 =	vgt.s32 v2, $0x0;
	(ifvalue) =	ssetifvalue $0x7FFFFFFF  }
.LBB2_3:
0x34: {  	[tilespmem:s18], [sflag:$0x1] =	stream.indirect_vreg.gather [hbm4b:s2+s10], $0x1, v1, vm0, $0x4038;
	[tilespmem:$0x1F40] =	vst v63  }
0x35: {  	s17 =	sadd.s32 $0x10, s17  }
0x36: {  	v2 =	vnsel vm1, $0x0, v2;
	p0 =	slt.u32 s17, $0x7C0  }
.Ltmp3:
0x37: {  	s18 =	smov.u32 s15;
	v1 =	vmin.u32 v2, $0x1869F;
	(pc) =	sbr.rel @p0 .LBB2_3-.Ltmp3, $3  }
0x38: {  	_ =	sdelay $0x1  }
0x39: {  	s16 =	sadd.s32 $0x10, s16  }
0x3a: {  	vm1 =	vgt.s32 v0, $0x0;
	s15 =	sadd.s32 $0x10, s15;
	v2 =	vmov v0;
	(ifvalue) =	ssetifvalue $0x7FFFFFFF;
	v0 =	vld.msk [tilespmem:s16+$0x0 ss:$0x1], $0xffff  }
.Ltmp4:
0x3b: {  	_ = 	snop;
	(pc) =	sbr.rel .LBB2_4-.Ltmp4, $1  }
0x3c: {  	_ =	sdelay $0x3  }
.LBB2_6:
0x3d: {  	_ =	sfence.sel $0x180000  }
0x3e: {  	s2 =	simm.s32 $0x2;
	[bflag:$0x0] =	sbarrier.arrive $0xFFFF  }
0x3f: {  	s30 =	simm.s32 $0x3;
	[sflag:s2] =	ssyncpa.u1 $0x1  }
0x40: {  	s31 =	simm.s32 $0x1;
	[sflag:s30] =	ssyncpa.u1 $0x1  }
0x41: {  	[sflag:s31] =	ssyncpa.u1 $0x1  }
0x42: {  	p0 =	sne.s32 s1, $0x0;
	_ =	strace $0x90000047  }
0x43: {  	s0 =	sadd.s32 @!p0 $0x100000, s0;
	[bflag:$0x2] =	sbarrier.arrive $0xFFFF  }
0x44: {  	[sflag:s0] =	ssyncadd.tile.s32 @!p0 $0x1;
	_ =	shalt  }
.Lfunc_end2:
_tile_overlayer_lowered:
.L_overlay_start_2:
0x45: {  	(tag) =	ssettag $0x2  }
0x46: {  	s0 =	rddreg [dreg:$0x0];
	s2 =	stileid.u32  }
0x47: {  	s1 =	rddreg [dreg:$0x1];
	p0 =	sne.s32 s2, $0x0  }
0x48: {  	s3 =	rddreg [dreg:$0x2];
	[bflag:$0x3] =	sbarrier.arrive $0xFFFF;
	s2 =	simm.s32 @!p0 $0x1C01  }
0x49: {  	[timem:s3], [sflag:s2] =	dma.local @!p0 [hbm:s0], s1  }
0x4a: {  	s0 =	simm.s32 @!p0 $0x1  }
0x4b: {  	_ =	swait.ge @!p0 [sflag:s0], s1  }
0x4c: {  	s1 =	ssub.s32 @!p0 $0x0, s1;
	[sflag:s0] =	ssyncset.done @!p0 $0x0  }
0x4d: {  	[sflag:s0] =	ssyncadd.s32 @!p0 s1  }
0x4e: {  	[bflag:$0x3] =	sbarrier.arrive $0xFFFF  }
0x4f: {  	_ =	shalt  }

// kernel: kernel.5.cloned.1.call-start
scs
__scs_entry_jumppad:
0x0: {  	(pc) =	sbr.rel $0x88, $3  }
0x1: {  	(tag) =	ssettag $0x0;
	lr =	simm.s32 $0x1  }
0x2: {  	[smem:$0x3F9B] =	sst lr;
	_ =	strace $0xD0000000  }
0x3: {  	_ = 	snop  }
0x4: {  	_ = 	snop  }
0x5: {  	_ = 	snop  }
0x6: {  	_ = 	snop  }
0x7: {  	_ = 	snop  }
__scs_overlays_trampoline_lowered:
0x8: {  	[smem:$0x3FAA] =	sst s0  }
0x9: {  	[smem:$0x3FAB] =	sst s1  }
0xa: {  	[smem:$0x3FAC] =	sst s2  }
0xb: {  	[smem:$0x3FAD] =	sst s3  }
0xc: {  	[smem:$0x3FAE] =	sst s4  }
0xd: {  	[smem:$0x3FAF] =	sst s5  }
0xe: {  	[smem:$0x3FB0] =	sst s6  }
0xf: {  	[smem:$0x3FB1] =	sst s7  }
0x10: {  	[smem:$0x3FB2] =	sst s8  }
0x11: {  	[smem:$0x3FB3] =	sst s9;
	s0 =	simm.s32 @!p0 $0x0  }
0x12: {  	s1 =	sld [smem:$0x3F99];
	s0 =	simm.s32 @p0 $0x1  }
0x13: {  	[smem:$0x3FB4] =	sst s0;
	s0 =	simm.s32 @!p1 $0x0  }
0x14: {  	s2 =	sld [smem:$0x3F98];
	s0 =	simm.s32 @p1 $0x1  }
0x15: {  	[smem:$0x3FB5] =	sst s0;
	s0 =	simm.s32 @!p2 $0x0  }
0x16: {  	s3 =	sld [smem:$0x3FDB];
	s0 =	simm.s32 @p2 $0x1  }
0x17: {  	s4 =	simm.s32 $0x1BF5;
	[smem:$0x3FB7] =	sst s0  }
0x18: {  	s0 =	sld [smem:$0x3F9A];
	_ =	swait.ge [sflag:s4], $0x0  }
0x19: {  	s7 =	sld [smem:$0x3F9B]  }
0x1a: {  	s8 =	sadd.s32 $0xFFFFE003, lr  }
0x1b: {  	s9 =	sadd.s32 $0xFFFFFEF7, lr;
	s5 =	simm.s32 $0xFFFFFFFF;
	p2 =	slt.u32 s8, $0xFFFFF086  }
0x1c: {  	p1 =	slt.u32 s9, $0xF7A;
	s5 =	simm.s32 @!p2 $0x0  }
0x1d: {  	s5 =	simm.s32 @p1 $0x1;
	p0 =	seq.s32 s7, s2  }
0x1e: {  	s7 =	smul.u32 @!p0 $0xF7A, s2;
	p2 =	seq.s32 @!p0 s5, $0x0  }
0x1f: {  	s9 =	smul.u32 $0xF7A, s1;
	s8 =	simm.s32 @!p0 $0x1BF5;
	p2 =	por !p2, p0  }
0x20: {  	[sflag:s8] =	ssyncset.s32 @!p0 $0xFFFFF086;
	s6 =	sadd.s32 @!p0 s3, s7;
	s7 =	simm.s32 @!p0 $0x108  }
0x21: {  	s3 =	sadd.s32 s3, s9;
	s6 =	sadd.s32 @!p0 $0x88, s6;
	s7 =	simm.s32 @p2 $0x1082  }
0x22: {  	[simem:s7], [sflag:s8] =	dma.local @!p0 [hbm:s6], $0xF7A  }
0x23: {  	s9 =	sor.u32 $0xD0000000, s2;
	s6 =	simm.s32 $0x108;
	_ =	swait.ge @!p0 [sflag:s8], $0x0  }
0x24: {  	s3 =	sadd.s32 $0x88, s3;
	s6 =	simm.s32 @!p1 $0x1082;
	[sflag:s4] =	ssyncset.s32 $0xFFFFF086  }
0x25: {  	[simem:s6], [sflag:s4] =	dma.local [hbm:s3], $0xF7A  }
0x26: {  	[smem:$0x3F9B] =	sst s1;
	(tag) =	ssettag s2;
	_ =	strace s9  }
0x27: {  	s1 =	sld [smem:$0x3FAB]  }
0x28: {  	s2 =	sld [smem:$0x3FAC]  }
0x29: {  	s4 =	sld [smem:$0x3FAE]  }
0x2a: {  	p0 =	seq.s32 s5, $0x0;
	s5 =	sld [smem:$0x3FAF]  }
0x2b: {  	s6 =	sld [smem:$0x3FB0]  }
0x2c: {  	s7 =	sld [smem:$0x3FB1]  }
0x2d: {  	s3 =	simm.s32 $0x108;
	s8 =	sld [smem:$0x3FB2]  }
0x2e: {  	s3 =	simm.s32 @!p0 $0x1082;
	s9 =	sld [smem:$0x3FB3]  }
0x2f: {  	lr =	sadd.s32 s0, s3;
	s0 =	sld [smem:$0x3FAA]  }
0x30: {  	s3 =	sld [smem:$0x3FAD]  }
0x31: {  	[smem:$0x3FB6] =	sst s10  }
0x32: {  	s10 =	sld [smem:$0x3FB4];
	_ =	sdelay $0x3  }
0x33: {  	p0 =	seq.s32 s10, $0x1;
	s10 =	sld [smem:$0x3FB6];
	_ =	sdelay $0x3  }
0x34: {  	[smem:$0x3FB6] =	sst s10  }
0x35: {  	s10 =	sld [smem:$0x3FB5];
	_ =	sdelay $0x3  }
0x36: {  	p1 =	seq.s32 s10, $0x1;
	s10 =	sld [smem:$0x3FB6];
	_ =	sdelay $0x3  }
0x37: {  	[smem:$0x3FB6] =	sst s10  }
0x38: {  	s10 =	sld [smem:$0x3FB7]  }
0x39: {  	_ = 	snop;
	(pc) =	sbr.ind lr, $3  }
0x3a: {  	_ = 	snop  }
0x3b: {  	_ = 	snop  }
0x3c: {  	p2 =	seq.s32 s10, $0x1;
	s10 =	sld [smem:$0x3FB6]  }
0x3d: {  	_ =	shalt  }
0x3e: {  	_ =	shalt  }
0x3f: {  	_ =	shalt  }
0x40: {  	_ =	shalt  }
0x41: {  	_ =	shalt  }
0x42: {  	_ =	shalt  }
0x43: {  	_ =	shalt  }
0x44: {  	_ =	shalt  }
0x45: {  	_ =	shalt  }
0x46: {  	_ =	shalt  }
0x47: {  	_ =	shalt  }
0x48: {  	_ =	shalt  }
0x49: {  	_ =	shalt  }
0x4a: {  	_ =	shalt  }
0x4b: {  	_ =	shalt  }
0x4c: {  	_ =	shalt  }
0x4d: {  	_ =	shalt  }
0x4e: {  	_ =	shalt  }
0x4f: {  	_ =	shalt  }
0x50: {  	_ =	shalt  }
0x51: {  	_ =	shalt  }
0x52: {  	_ =	shalt  }
0x53: {  	_ =	shalt  }
0x54: {  	_ =	shalt  }
0x55: {  	_ =	shalt  }
0x56: {  	_ =	shalt  }
0x57: {  	_ =	shalt  }
0x58: {  	_ =	shalt  }
0x59: {  	_ =	shalt  }
0x5a: {  	_ =	shalt  }
0x5b: {  	_ =	shalt  }
0x5c: {  	_ =	shalt  }
0x5d: {  	_ =	shalt  }
0x5e: {  	_ =	shalt  }
0x5f: {  	_ =	shalt  }
0x60: {  	_ =	shalt  }
0x61: {  	_ =	shalt  }
0x62: {  	_ =	shalt  }
0x63: {  	_ =	shalt  }
0x64: {  	_ =	shalt  }
0x65: {  	_ =	shalt  }
0x66: {  	_ =	shalt  }
0x67: {  	_ =	shalt  }
0x68: {  	_ =	shalt  }
0x69: {  	_ =	shalt  }
0x6a: {  	_ =	shalt  }
0x6b: {  	_ =	shalt  }
0x6c: {  	_ =	shalt  }
0x6d: {  	_ =	shalt  }
0x6e: {  	_ =	shalt  }
0x6f: {  	_ =	shalt  }
0x70: {  	_ =	shalt  }
0x71: {  	_ =	shalt  }
0x72: {  	_ =	shalt  }
0x73: {  	_ =	shalt  }
0x74: {  	_ =	shalt  }
0x75: {  	_ =	shalt  }
0x76: {  	_ =	shalt  }
0x77: {  	_ =	shalt  }
0x78: {  	_ =	shalt  }
0x79: {  	_ =	shalt  }
0x7a: {  	_ =	shalt  }
0x7b: {  	_ =	shalt  }
0x7c: {  	_ =	shalt  }
0x7d: {  	_ =	shalt  }
0x7e: {  	_ =	shalt  }
0x7f: {  	_ =	shalt  }
0x80: {  	_ =	shalt  }
0x81: {  	_ =	shalt  }
0x82: {  	_ =	shalt  }
0x83: {  	_ =	shalt  }
0x84: {  	_ =	shalt  }
0x85: {  	_ =	shalt  }
0x86: {  	_ =	shalt  }
0x87: {  	_ =	shalt  }
.Lfunc_end0:
.L_simem_size_0:
called_computation.1_lowered:
.L_overlay_start_0:
0x88: {  	s2 =	sld [smem:$0x3FD9]  }
0x89: {  	s3 =	sld [smem:$0x3FFE];
	_ =	sdelay $0x1  }
0x8a: {  	s1 =	srdreg.scid  }
0x8b: {  	s0 =	sand.u32 $0x1, s1  }
0x8c: {  	s17 =	sshll.u32 s0, $0xA;
	s2 =	sadd.s32 s3, s2  }
0x8d: {  	s2 =	sadd.s32 s2, s17  }
0x8e: {  	[smem:$0x3FC2] =	sst s2  }
0x8f: {  	_ = 	snop  }
0x90: {  	s2 =	sld [smem:$0x3FD0];
	(tm) =	ssettm $0x1  }
0x91: {  	s18 =	sld [smem:$0x3FFB];
	_ =	sdelay $0x3  }
0x92: {  	_ =	strace s18  }
0x93: {  	s3 =	sld [smem:$0x3FFC];
	_ =	sdelay $0x3  }
0x94: {  	_ =	strace s3  }
0x95: {  	s3 =	sld [smem:$0x3FFD];
	_ =	sdelay $0x3  }
0x96: {  	_ =	strace s3  }
0x97: {  	_ =	strace $0x8FFFFFFF  }
0x98: {  	s19 =	sld [smem:$0x3FDB];
	_ =	sdelay $0x1  }
0x99: {  	s4 =	simm.s32 $_scs_section_size  }
0x9a: {  	s5 =	simm.s32 $_size__tile_overlayer_lowered;
	s6 =	simm.s32 $_tile_overlayer_lowered  }
0x9b: {  	s22 =	simm.s32 $0x1BFF;
	s21 =	sshll.u32 s6, $0x1;
	s3 =	sadd.s32 s4, s19  }
0x9c: {  	s7 =	simm.s32 $0x0;
	s20 =	sshll.u32 s5, $0x1;
	s5 =	sadd.s32 s21, s3  }
0x9d: {  	[timem:s7], [sflag:s22] =	dma.local [hbm:s5], s20  }
0x9e: {  	_ =	swait.ge [sflag:s22], s20  }
0x9f: {  	s4 =	ssub.s32 $0x0, s20;
	[sflag:s22] =	ssyncset.done $0x0  }
0xa0: {  	[sflag:s22] =	ssyncadd.s32 s4;
	_ =	sdelay $0x1  }
0xa1: {  	s23 =	simm.s32 $0x1B8B  }
0xa2: {  	_ =	swait.ge [sflag:s23], $0x1  }
0xa3: {  	[sflag:s23] =	ssyncset.done $0x0  }
0xa4: {  	s25 =	simm.s32 $0x1B8E;
	s24 =	sld [smem:$0x3FFE];
	[sflag:s23] =	ssyncadd.s32 $0xFFFFFFFF  }
0xa5: {  	s26 =	simm.s32 $execute0_lowered;
	[smem:$0x3FD2] =	sst s25  }
0xa6: {  	s5 =	sshll.u32 s26, $0x1;
	_ =	strace $0x80000049;
	[dreg:$0x1] =	wrdreg $0xFFFFFFFF  }
0xa7: {  	s28 =	simm.s32 $_size_execute0_lowered;
	s3 =	sadd.s32 s3, s5;
	[dreg:$0x0] =	wrdreg $0x0  }
0xa8: {  	s5 =	sshll.u32 s28, $0x1;
	[dreg:$0x2] =	wrdreg s3  }
0xa9: {  	[dreg:$0x3] =	wrdreg s5  }
0xaa: {  	[dreg:$0x4] =	wrdreg $0xC0  }
0xab: {  	_ =	task [dreg:s7], $0x5FFFF  }
0xac: {  	[dreg:$0x1] =	wrdreg $0xFFFFFFFF  }
0xad: {  	[dreg:$0x0] =	wrdreg $0x60  }
0xae: {  	[dreg:$0x2] =	wrdreg s2  }
0xaf: {  	[dreg:$0x3] =	wrdreg s24  }
0xb0: {  	[dreg:$0x4] =	wrdreg $0x0  }
0xb1: {  	[dreg:$0x5] =	wrdreg $0x9  }
0xb2: {  	_ =	task.clear_ibuf [dreg:s7], $0x6FFFF;
	_ =	strace $0x90000049  }
0xb3: {  	s29 =	simm.s32 $0x9;
	_ =	strace $0x8000004B  }
0xb4: {  	_ =	swait.ge [sflag:s29], $0x1  }
0xb5: {  	[sflag:s29] =	ssyncadd.s32 $0xFFFFFFFF  }
0xb6: {  	_ =	strace $0x9000004B  }
0xb7: {  	_ =	sfence  }
0xb8: {  	s30 =	sld [smem:$0x0];
	_ =	sdelay $0x2  }
0xb9: {  	s31 =	sshll.u32 s1, $0xD;
	s1 =	sshrl.u32 s1, $0x2  }
0xba: {  	s3 =	sand.u32 $0x4000, s31;
	s1 =	sadd.s32 s1, s30  }
0xbb: {  	s0 =	sor.u32 s3, s0;
	s1 =	sshll.u32 s1, $0x11  }
0xbc: {  	s0 =	sor.u32 s1, s0  }
0xbd: {  	s0 =	sadd.s32 $0x8F2B, s0  }
0xbe: {  	[sflag:s0] =	ssyncadd.remote.s32 $0x1  }
0xbf: {  	_ =	sfence.sel $0xFFFF  }
0xc0: {  	[dreg:$0x0] =	wrdreg $0xFFFFFFFF;
	(pc) =	sbr.abs _section_cstart, $3  }
0xc1: {  	[dreg:$0x1] =	wrdreg $0xFFFFFFFF  }
0xc2: {  	_ =	task.clear_ibuf [dreg:s7], $0x2FFFF;
	_ =	strace $0x9FFFFFFF  }
0xc3: {  	(tm) =	ssettm $0x7FFFFFFF  }
tec
execute0_lowered:
.L_overlay_start_1:
0x0: {  	(tag) =	ssettag $0x1  }
0x1: {  	s3 =	rddreg [dreg:$0x0]  }
0x2: {  	s4 =	rddreg [dreg:$0x1]  }
0x3: {  	s1 =	rddreg [dreg:$0x2]  }
0x4: {  	s0 =	rddreg [dreg:$0x3];
	s7 =	stileid.u32  }
0x5: {  	s5 =	srdreg.scid;
	s2 =	simm.s32 $0x0;
	s12 =	simm.s32 $0x19FA0  }
0x6: {  	s13 =	simm.s32 $0x1BFA0;
	s14 =	simm.s32 $0x1;
	s15 =	simm.s32 $0x2  }
0x7: {  	s16 =	simm.s32 $0x3;
	s17 =	simm.s32 $0x4;
	s18 =	simm.s32 $0x0  }
0x8: {  	s6 =	smul.u32 $0x1900, s7;
	s5 =	sand.u32 $0x1, s5;
	[smem:$0x7FF] =	sst s2  }
0x9: {  	s9 =	smul.u32 $0x64000, s7;
	s11 =	sadd.s32 $0x4800, s4;
	p0 =	sne.s32 s7, $0x0  }
0xa: {  	s8 =	smul.u32 $0x640000, s5;
	_ =	strace $0x8000004A;
	s10 =	ssub.s32 $0x2, s5  }
0xb: {  	s5 =	smul.u32 $0x30D40, s5;
	s6 =	sshrl.u32 s6, $0x3;
	s28 =	sshrl.u32 s10, $0x1  }
0xc: {  	s6 =	sadd.s32 s6, s4;
	s8 =	sadd.s32 s9, s8;
	s29 =	ssub.s32 s10, s28  }
0xd: {  	s3 =	sadd.s32 s3, s5;
	s9 =	simm.s32 $0x186A0;
	s10 =	simm.s32 $0x5  }
0xe: {  	s30 =	sor.u32 $0x2000, s8;
	s4 =	sadd.s32 $0x1600, s6;
	s8 =	sshrl.u32 s8, $0x3  }
0xf: {  	s5 =	smax.u32 s29, $0x1;
	s31 =	sshrl.u32 s30, $0x3;
	s7 =	sadd.s32 s8, s11  }
0x10: {  	s8 =	sshrl.u32 @!p0 s1, $0x3;
	s6 =	sadd.s32 s31, s11;
	s11 =	simm.s32 $0x80  }
.LBB2_1:
0x11: {  	s19 =	simm.s32 @!p0 $0x1C05  }
0x12: {  	[spmem:s8], [sflag:s19] =	dma.local @!p0 [hbm:s3], $0x30D40  }
0x13: {  	s19 =	simm.s32 @!p0 $0x5  }
0x14: {  	_ =	swait.ge @!p0 [sflag:s19], $0x30D40  }
0x15: {  	[sflag:s19] =	ssyncset.done @!p0 $0x0  }
0x16: {  	[sflag:s19] =	ssyncadd.s32 @!p0 $0xFFFCF2C0  }
0x17: {  	[bflag:$0x0] =	sbarrier.arrive $0xFFFF  }
0x18: {  	[tilespmem:s9], [sflag:$0x5] =	stream.linear.gather [hbm4b:s4+s2], $0x1900, $0x38;
	[tilespmem:$0x1DFA0] =	vst v63  }
0x19: {  	_ =	swait.ge [sflag:s10], $0x1900  }
0x1a: {  	[sflag:s10] =	ssyncset.done $0x0  }
0x1b: {  	s28 =	simm.s32 $0x186A0;
	[sflag:s10] =	ssyncadd.s32 $0xFFFFE700  }
0x1c: {  	[tilespmem:s12], [sflag:$0x1] =	stream.indirect.gather [spmem:s1], $0x40, s28, s11, $0xb8;
	[tilespmem:$0x1DFA0] =	vst v63  }
0x1d: {  	s29 =	simm.s32 $0x18720  }
0x1e: {  	[tilespmem:s13], [sflag:$0x2] =	stream.indirect.gather [spmem:s1], $0x40, s29, s11, $0xb8;
	[tilespmem:$0x1DFA0] =	vst v63  }
0x1f: {  	_ =	swait.ge [sflag:s14], $0x2000  }
0x20: {  	[sflag:s14] =	ssyncset.done $0x0  }
0x21: {  	s30 =	sadd.s32 $0x0, s7;
	[sflag:s14] =	ssyncadd.s32 $0xFFFFE000  }
0x22: {  	[hbm4b:s30+s2] =	stream.linear.scatter [tilespmem:s12], [sflag:$0x3], $0x2000, $0x38;
	[tilespmem:$0x1DFA0] =	vst v63  }
0x23: {  	_ =	swait.ge [sflag:s15], $0x2000  }
0x24: {  	[sflag:s15] =	ssyncset.done $0x0  }
0x25: {  	s31 =	sadd.s32 $0x0, s6;
	[sflag:s15] =	ssyncadd.s32 $0xFFFFE000  }
0x26: {  	[hbm4b:s31+s2] =	stream.linear.scatter [tilespmem:s13], [sflag:$0x4], $0x2000, $0x38;
	[tilespmem:$0x1DFA0] =	vst v63  }
0x27: {  	_ =	swait.ge [sflag:s16], $0x2000  }
0x28: {  	[sflag:s16] =	ssyncset.done $0x0  }
0x29: {  	[sflag:s16] =	ssyncadd.s32 $0xFFFFE000  }
0x2a: {  	s21 =	simm.s32 $0x1000;
	_ =	swait.ge [sflag:s17], $0x2000  }
0x2b: {  	s20 =	simm.s32 $0x18820;
	s19 =	simm.s32 $0x800;
	[sflag:s17] =	ssyncset.done $0x0  }
.LBB2_2:
0x2c: {  	p1 =	sne.s32 s21, $0xC000;
	s22 =	sadd.s32 $0xFFFFFF80, s20;
	[sflag:s17] =	ssyncadd.s32 $0xFFFFE000  }
0x2d: {  	[tilespmem:s12], [sflag:$0x1] =	stream.indirect.gather [spmem:s1], $0x40, s22, s11, $0xb8;
	[tilespmem:$0x1DFA0] =	vst v63  }
0x2e: {  	s22 =	smov.u32 s21;
	s21 =	sadd.s32 $0x800, s21  }
0x2f: {  	[tilespmem:s13], [sflag:$0x2] =	stream.indirect.gather [spmem:s1], $0x40, s20, s11, $0xb8;
	[tilespmem:$0x1DFA0] =	vst v63  }
0x30: {  	_ =	swait.ge [sflag:s14], $0x2000  }
0x31: {  	[sflag:s14] =	ssyncset.done $0x0  }
0x32: {  	s23 =	sadd.s32 s19, s7;
	[sflag:s14] =	ssyncadd.s32 $0xFFFFE000  }
0x33: {  	[hbm4b:s23+s2] =	stream.linear.scatter [tilespmem:s12], [sflag:$0x3], $0x2000, $0x38;
	[tilespmem:$0x1DFA0] =	vst v63  }
0x34: {  	_ =	swait.ge [sflag:s15], $0x2000  }
0x35: {  	[sflag:s15] =	ssyncset.done $0x0  }
0x36: {  	s23 =	sadd.s32 s19, s6;
	s19 =	smov.u32 s22;
	[sflag:s15] =	ssyncadd.s32 $0xFFFFE000  }
0x37: {  	[hbm4b:s23+s2] =	stream.linear.scatter [tilespmem:s13], [sflag:$0x4], $0x2000, $0x38;
	[tilespmem:$0x1DFA0] =	vst v63  }
.Ltmp0:
0x38: {  	_ =	swait.ge [sflag:s16], $0x2000;
	(pc) =	sbr.rel @p1 .LBB2_2-.Ltmp0, $4  }
0x39: {  	[sflag:s16] =	ssyncset.done $0x0  }
0x3a: {  	[sflag:s16] =	ssyncadd.s32 $0xFFFFE000  }
0x3b: {  	_ =	swait.ge [sflag:s17], $0x2000  }
0x3c: {  	s20 =	sadd.s32 $0x100, s20;
	[sflag:s17] =	ssyncset.done $0x0  }
0x3d: {  	s21 =	sadd.s32 $0xFFFFFF80, s20;
	[sflag:s17] =	ssyncadd.s32 $0xFFFFE000  }
0x3e: {  	[tilespmem:s12], [sflag:$0x1] =	stream.indirect.gather [spmem:s1], $0x40, s21, s11, $0xb8;
	[tilespmem:$0x1DFA0] =	vst v63  }
0x3f: {  	_ = 	snop  }
0x40: {  	[tilespmem:s13], [sflag:$0x2] =	stream.indirect.gather [spmem:s1], $0x40, s20, s11, $0xb8;
	[tilespmem:$0x1DFA0] =	vst v63  }
0x41: {  	_ =	swait.ge [sflag:s14], $0x2000  }
0x42: {  	[sflag:s14] =	ssyncset.done $0x0  }
0x43: {  	s30 =	sadd.s32 s19, s7;
	[sflag:s14] =	ssyncadd.s32 $0xFFFFE000  }
0x44: {  	[hbm4b:s30+s2] =	stream.linear.scatter [tilespmem:s12], [sflag:$0x3], $0x2000, $0x38;
	[tilespmem:$0x1DFA0] =	vst v63  }
0x45: {  	_ =	swait.ge [sflag:s15], $0x2000  }
0x46: {  	[sflag:s15] =	ssyncset.done $0x0  }
0x47: {  	s31 =	sadd.s32 s19, s6;
	s18 =	sadd.s32 $0x1, s18;
	[sflag:s15] =	ssyncadd.s32 $0xFFFFE000  }
0x48: {  	[hbm4b:s31+s2] =	stream.linear.scatter [tilespmem:s13], [sflag:$0x4], $0x2000, $0x38;
	[tilespmem:$0x1DFA0] =	vst v63  }
0x49: {  	p1 =	sne.s32 s18, s5;
	_ =	swait.ge [sflag:s16], $0x2000  }
.Ltmp1:
0x4a: {  	[sflag:s16] =	ssyncset.done $0x0;
	(pc) =	sbr.rel @p1 .LBB2_1-.Ltmp1, $4  }
0x4b: {  	[sflag:s16] =	ssyncadd.s32 $0xFFFFE000  }
0x4c: {  	_ =	swait.ge [sflag:s17], $0x2000  }
0x4d: {  	[sflag:s17] =	ssyncset.done $0x0  }
0x4e: {  	[sflag:s17] =	ssyncadd.s32 $0xFFFFE000  }
0x4f: {  	_ =	sfence.sel $0x180000  }
0x50: {  	[bflag:$0x0] =	sbarrier.arrive $0xFFFF  }
0x51: {  	_ =	strace $0x9000004A  }
0x52: {  	s0 =	sadd.s32 @!p0 $0x100000, s0;
	[bflag:$0x2] =	sbarrier.arrive $0xFFFF  }
0x53: {  	[sflag:s0] =	ssyncadd.tile.s32 @!p0 $0x1;
	_ =	shalt  }
.Lfunc_end2:
_tile_overlayer_lowered:
.L_overlay_start_2:
0x54: {  	(tag) =	ssettag $0x2  }
0x55: {  	s0 =	rddreg [dreg:$0x0];
	s2 =	stileid.u32  }
0x56: {  	s1 =	rddreg [dreg:$0x1];
	p0 =	sne.s32 s2, $0x0  }
0x57: {  	s3 =	rddreg [dreg:$0x2];
	[bflag:$0x3] =	sbarrier.arrive $0xFFFF;
	s2 =	simm.s32 @!p0 $0x1C05  }
0x58: {  	[timem:s3], [sflag:s2] =	dma.local @!p0 [hbm:s0], s1  }
0x59: {  	s0 =	simm.s32 @!p0 $0x5  }
0x5a: {  	_ =	swait.ge @!p0 [sflag:s0], s1  }
0x5b: {  	s1 =	ssub.s32 @!p0 $0x0, s1;
	[sflag:s0] =	ssyncset.done @!p0 $0x0  }
0x5c: {  	[sflag:s0] =	ssyncadd.s32 @!p0 s1  }
0x5d: {  	[bflag:$0x3] =	sbarrier.arrive $0xFFFF  }
0x5e: {  	_ =	shalt  }

</sc_bundles>
